<compile_context>
chip_gen: v7x
topology: tpu7x:2x2x1
jax: 0.10.2.dev20260603
libtpu: 0.0.44.dev20260713+nightly
codegen_flags: <defaults>
</compile_context>

<pallas_src>
import functools

import jax
import jax.numpy as jnp
from jax import lax
from jax.experimental import pallas as pl
from jax.experimental.pallas import tpu as pltpu
from jax.experimental.pallas import tpu_sc as plsc

E = 320000
K = 128
N_EDGE_TYPES = 1024


_NC = 2
_NS = 16
_NW = _NC * _NS
_CHUNK = E // _NW
_LANES = 16


def _sc_affine_body(x_hbm, et_hbm, mul_hbm, bias_hbm, out_hbm,
                    idx_v, x_v, mul_v, bias_v, out_v, mul_t, bias_t, sem):
    wid = lax.axis_index("s") * _NC + lax.axis_index("c")
    base = wid * _CHUNK
    pltpu.sync_copy(et_hbm.at[pl.ds(base, _CHUNK)], idx_v)
    pltpu.sync_copy(x_hbm.at[pl.ds(base, _CHUNK)], x_v)
    @pl.when(lax.axis_index("s") == 0)
    def _stage_tables():
        pltpu.sync_copy(mul_hbm, mul_t)
        pltpu.sync_copy(bias_hbm, bias_t)

    plsc.subcore_barrier()
    pltpu.async_copy(mul_t.at[idx_v], mul_v, sem).wait()
    pltpu.async_copy(bias_t.at[idx_v], bias_v, sem).wait()

    def body(i, carry):
        sl = pl.ds(pl.multiple_of(i * _LANES, _LANES), _LANES)
        out_v[sl] = mul_v[sl] * x_v[sl] + bias_v[sl]
        return carry

    lax.fori_loop(0, _CHUNK // _LANES, body, jnp.int32(0))
    pltpu.sync_copy(out_v, out_hbm.at[pl.ds(base, _CHUNK)])


_sc_affine = functools.partial(
    pl.kernel,
    mesh=plsc.VectorSubcoreMesh(core_axis_name="c", subcore_axis_name="s"),
    out_type=jax.ShapeDtypeStruct((E,), jnp.float32),
    scratch_types=[
        pltpu.VMEM((_CHUNK,), jnp.int32),
        pltpu.VMEM((_CHUNK,), jnp.float32),
        pltpu.VMEM((_CHUNK,), jnp.float32),
        pltpu.VMEM((_CHUNK,), jnp.float32),
        pltpu.VMEM((_CHUNK,), jnp.float32),
        pltpu.VMEM_SHARED((N_EDGE_TYPES,), jnp.float32),
        pltpu.VMEM_SHARED((N_EDGE_TYPES,), jnp.float32),
        pltpu.SemaphoreType.DMA,
    ],
)(_sc_affine_body)



_BE = 12800
_SUB = 512


def _rbf_body(xe_ref, m_ref, t_ref, o_ref):
    m = m_ref[...]
    nt = jnp.abs(t_ref[...]) * jnp.float32(-1.4426950408889634)
    xe = xe_ref[0]
    xet = jnp.transpose(xe)
    d = xet - m
    o_ref[...] = jnp.exp2(d * d * nt)


def _rbf_dense(xe2, mean0, temp0):
    return pl.pallas_call(
        _rbf_body,
        grid=(E // _BE,),
        in_specs=[
            pl.BlockSpec((1, 1, _BE), lambda i: (i, 0, 0)),
            pl.BlockSpec((1, K), lambda i: (0, 0)),
            pl.BlockSpec((1, K), lambda i: (0, 0)),
        ],
        out_specs=pl.BlockSpec((_BE, K), lambda i: (i, 0)),
        out_shape=jax.ShapeDtypeStruct((E, K), jnp.float32),
    )(xe2, mean0, temp0)


def kernel(x, edge_types, t, means, temps, mul_w, bias_w):
    xe = _sc_affine(x, edge_types, mul_w.reshape(-1), bias_w.reshape(-1))
    mean0 = lax.slice(means, (0, 0), (1, K))
    temp0 = lax.slice(temps, (0, 0), (1, K))
    return _rbf_dense(xe.reshape(E // _BE, 1, _BE), mean0, temp0)

# --- scband reference (transcript-rebuilt; emitter-appended) ---
"""Pipeline reference for scband-rbfflatten-15616501088375 (READ-ONLY COPY).

The authoritative reference and input builder live on the scoring server;
editing this copy changes nothing except your own understanding.
"""

import jax, jax.numpy as jnp
import numpy as np

E = 320000
K = 128
NUM_T = 1000
N_EDGE_TYPES = 1024


def setup_inputs(seed: int = 0) -> dict:
    key = jax.random.key(seed)
    k1, k2, k3, k4, k5 = jax.random.split(key, 5)
    # per-edge scalar feature (e.g., pairwise distance)
    x = jax.random.uniform(k1, (E,), dtype=jnp.float32) * 3.0
    edge_types = jax.random.randint(k2, (E,), 0, N_EDGE_TYPES, dtype=jnp.int32)
    t = jax.random.randint(k3, (E,), 0, NUM_T, dtype=jnp.int32)
    # learned parameters, initialized per the torch module's __init__
    means = jax.random.uniform(k4, (NUM_T, K), dtype=jnp.float32, minval=0.0, maxval=3.0)
    temps = jax.random.uniform(k5, (NUM_T, K), dtype=jnp.float32, minval=0.1, maxval=10.0)
    mul_w = jnp.ones((N_EDGE_TYPES, 1), dtype=jnp.float32)
    bias_w = jnp.zeros((N_EDGE_TYPES, 1), dtype=jnp.float32)
    return {"x": x, "edge_types": edge_types, "t": t,
            "means": means, "temps": temps, "mul_w": mul_w, "bias_w": bias_w}


def reference(x, edge_types, t, means, temps, mul_w, bias_w):
    # mul = self.mul(edge_types); bias = self.bias(edge_types)
    mul = jnp.take(mul_w, edge_types, axis=0)    # [E, 1]
    bias = jnp.take(bias_w, edge_types, axis=0)  # [E, 1]
    # x = mul * x.unsqueeze(-1) + bias
    xe = mul * x[..., None] + bias               # [E, 1]
    # mean = self.means(zeros_like(t)); temp = self.temps(zeros_like(t)).abs()
    zt = jnp.zeros_like(t)
    mean = jnp.take(means, zt, axis=0)           # [E, K]
    temp = jnp.abs(jnp.take(temps, zt, axis=0))  # [E, K]
    # ((x - mean)^2 * -temp).exp().type_as(means)
    out = jnp.exp(jnp.square(xe - mean) * (-temp)).astype(means.dtype)
    return out

if __name__ == "__main__":
    import jax
    _d = setup_inputs()
    print(jax.jit(kernel)(*tuple(_d.values())))

</pallas_src>

<mosaic_0001>
#map = affine_map<(d0, d1) -> (0)>
module attributes {stable_mosaic.version = 14 : i64} {
  func.func @_sc_affine_body(%arg0: i32, %arg1: i32, %arg2: memref<320000xf32, #tpu.memory_space<hbm>>, %arg3: memref<320000xi32, #tpu.memory_space<hbm>>, %arg4: memref<1024xf32, #tpu.memory_space<hbm>>, %arg5: memref<1024xf32, #tpu.memory_space<hbm>>, %arg6: memref<320000xf32, #tpu.memory_space<hbm>>, %arg7: memref<10000xi32, #tpu.memory_space<vmem>>, %arg8: memref<10000xf32, #tpu.memory_space<vmem>>, %arg9: memref<10000xf32, #tpu.memory_space<vmem>>, %arg10: memref<10000xf32, #tpu.memory_space<vmem>>, %arg11: memref<10000xf32, #tpu.memory_space<vmem>>, %arg12: memref<1024xf32, #tpu.memory_space<vmem_shared>>, %arg13: memref<1024xf32, #tpu.memory_space<vmem_shared>>, %arg14: memref<!tpu.dma_semaphore, #tpu.memory_space<semaphore_mem>>) attributes {dimension_semantics = [#tpu.dimension_semantics<core_parallel>, #tpu.dimension_semantics<subcore_parallel>], iteration_bounds = array<i64: 2, 16>, scalar_prefetch = 0 : i64, scratch_operands = 8 : i64, tpu.core_type = #tpu.core_type<sc_vector_subcore>, window_params = [{transform_indices = #map}, {transform_indices = #map}, {transform_indices = #map}, {transform_indices = #map}, {transform_indices = #map}]} {
    %mul3A = arith.constant 2 : i32
    %mul3A_0 = arith.muli %arg1, %mul3A : i32
    %add3A = arith.addi %mul3A_0, %arg0 : i32
    %mul3A_1 = arith.constant 10000 : i32
    %mul3A_2 = arith.muli %add3A, %mul3A_1 : i32
    "tpu.region"() ({
      %run_scoped3A = tpu.sem_alloc : memref<!tpu.dma_semaphore, #tpu.memory_space<semaphore_mem>>
      %dma_start3A_16 = tpu.memref_slice %arg3[%mul3A_2] : memref<320000xi32, #tpu.memory_space<hbm>> -> memref<10000xi32, #tpu.memory_space<hbm>>
      %dma_start3A_17 = tpu.memref_slice %arg3[%mul3A_2] : memref<320000xi32, #tpu.memory_space<hbm>> -> memref<10000xi32, #tpu.memory_space<hbm>>
      tpu.enqueue_dma source(%dma_start3A_17 : memref<10000xi32, #tpu.memory_space<hbm>>) target(%arg7 : memref<10000xi32, #tpu.memory_space<vmem>>) target_semaphore(%run_scoped3A : memref<!tpu.dma_semaphore, #tpu.memory_space<semaphore_mem>>)
      %dma_wait3A_18 = tpu.memref_slice %arg3[%mul3A_2] : memref<320000xi32, #tpu.memory_space<hbm>> -> memref<10000xi32, #tpu.memory_space<hbm>>
      %dma_wait3A_19 = tpu.memref_slice %arg3[%mul3A_2] : memref<320000xi32, #tpu.memory_space<hbm>> -> memref<10000xi32, #tpu.memory_space<hbm>>
      tpu.wait_dma2 semaphore(%run_scoped3A : memref<!tpu.dma_semaphore, #tpu.memory_space<semaphore_mem>>) src(%dma_wait3A_19 : memref<10000xi32, #tpu.memory_space<hbm>>) dst(%arg7 : memref<10000xi32, #tpu.memory_space<vmem>>)
      tpu.yield
    }) : () -> ()
    "tpu.region"() ({
      %run_scoped3A = tpu.sem_alloc : memref<!tpu.dma_semaphore, #tpu.memory_space<semaphore_mem>>
      %dma_start3A_16 = tpu.memref_slice %arg2[%mul3A_2] : memref<320000xf32, #tpu.memory_space<hbm>> -> memref<10000xf32, #tpu.memory_space<hbm>>
      %dma_start3A_17 = tpu.memref_slice %arg2[%mul3A_2] : memref<320000xf32, #tpu.memory_space<hbm>> -> memref<10000xf32, #tpu.memory_space<hbm>>
      tpu.enqueue_dma source(%dma_start3A_17 : memref<10000xf32, #tpu.memory_space<hbm>>) target(%arg8 : memref<10000xf32, #tpu.memory_space<vmem>>) target_semaphore(%run_scoped3A : memref<!tpu.dma_semaphore, #tpu.memory_space<semaphore_mem>>)
      %dma_wait3A_18 = tpu.memref_slice %arg2[%mul3A_2] : memref<320000xf32, #tpu.memory_space<hbm>> -> memref<10000xf32, #tpu.memory_space<hbm>>
      %dma_wait3A_19 = tpu.memref_slice %arg2[%mul3A_2] : memref<320000xf32, #tpu.memory_space<hbm>> -> memref<10000xf32, #tpu.memory_space<hbm>>
      tpu.wait_dma2 semaphore(%run_scoped3A : memref<!tpu.dma_semaphore, #tpu.memory_space<semaphore_mem>>) src(%dma_wait3A_19 : memref<10000xf32, #tpu.memory_space<hbm>>) dst(%arg8 : memref<10000xf32, #tpu.memory_space<vmem>>)
      tpu.yield
    }) : () -> ()
    %eq3A = arith.constant 0 : i32
    %eq3A_3 = arith.cmpi eq, %arg1, %eq3A : i32
    %convert_element_type3A = arith.extui %eq3A_3 : i1 to i32
    %cond3A = arith.constant 0 : i32
    %cond3A_4 = arith.cmpi ne, %convert_element_type3A, %cond3A : i32
    scf.if %cond3A_4 {
      "tpu.region"() ({
        %run_scoped3A = tpu.sem_alloc : memref<!tpu.dma_semaphore, #tpu.memory_space<semaphore_mem>>
        tpu.enqueue_dma source(%arg4 : memref<1024xf32, #tpu.memory_space<hbm>>) target(%arg12 : memref<1024xf32, #tpu.memory_space<vmem_shared>>) target_semaphore(%run_scoped3A : memref<!tpu.dma_semaphore, #tpu.memory_space<semaphore_mem>>)
        tpu.wait_dma2 semaphore(%run_scoped3A : memref<!tpu.dma_semaphore, #tpu.memory_space<semaphore_mem>>) src(%arg4 : memref<1024xf32, #tpu.memory_space<hbm>>) dst(%arg12 : memref<1024xf32, #tpu.memory_space<vmem_shared>>)
        tpu.yield
      }) : () -> ()
      "tpu.region"() ({
        %run_scoped3A = tpu.sem_alloc : memref<!tpu.dma_semaphore, #tpu.memory_space<semaphore_mem>>
        tpu.enqueue_dma source(%arg5 : memref<1024xf32, #tpu.memory_space<hbm>>) target(%arg13 : memref<1024xf32, #tpu.memory_space<vmem_shared>>) target_semaphore(%run_scoped3A : memref<!tpu.dma_semaphore, #tpu.memory_space<semaphore_mem>>)
        tpu.wait_dma2 semaphore(%run_scoped3A : memref<!tpu.dma_semaphore, #tpu.memory_space<semaphore_mem>>) src(%arg5 : memref<1024xf32, #tpu.memory_space<hbm>>) dst(%arg13 : memref<1024xf32, #tpu.memory_space<vmem_shared>>)
        tpu.yield
      }) : () -> ()
    } else {
    }
    %barrier3A = arith.constant 0 : index
    tpu.barrier barrier_id(%barrier3A)
    %dma_start3A = arith.constant 0 : i32
    %dma_start3A_5 = tpu.memref_slice %arg12[%dma_start3A] : memref<1024xf32, #tpu.memory_space<vmem_shared>> -> memref<1024xf32, #tpu.memory_space<vmem_shared>>
    tpu.enqueue_indirect_dma source(%dma_start3A_5 : memref<1024xf32, #tpu.memory_space<vmem_shared>>) target(%arg9 : memref<10000xf32, #tpu.memory_space<vmem>>) offsets(%arg7 : memref<10000xi32, #tpu.memory_space<vmem>>) semaphore(%arg14 : memref<!tpu.dma_semaphore, #tpu.memory_space<semaphore_mem>>)
    %dma_wait3A = arith.constant 0 : i32
    %dma_wait3A_6 = tpu.memref_slice %arg12[%dma_wait3A] : memref<1024xf32, #tpu.memory_space<vmem_shared>> -> memref<1024xf32, #tpu.memory_space<vmem_shared>>
    tpu.wait_indirect_dma semaphore(%arg14 : memref<!tpu.dma_semaphore, #tpu.memory_space<semaphore_mem>>) src(%dma_wait3A_6 : memref<1024xf32, #tpu.memory_space<vmem_shared>>) dst(%arg9 : memref<10000xf32, #tpu.memory_space<vmem>>)
    %dma_start3A_7 = arith.constant 0 : i32
    %dma_start3A_8 = tpu.memref_slice %arg13[%dma_start3A_7] : memref<1024xf32, #tpu.memory_space<vmem_shared>> -> memref<1024xf32, #tpu.memory_space<vmem_shared>>
    tpu.enqueue_indirect_dma source(%dma_start3A_8 : memref<1024xf32, #tpu.memory_space<vmem_shared>>) target(%arg10 : memref<10000xf32, #tpu.memory_space<vmem>>) offsets(%arg7 : memref<10000xi32, #tpu.memory_space<vmem>>) semaphore(%arg14 : memref<!tpu.dma_semaphore, #tpu.memory_space<semaphore_mem>>)
    %dma_wait3A_9 = arith.constant 0 : i32
    %dma_wait3A_10 = tpu.memref_slice %arg13[%dma_wait3A_9] : memref<1024xf32, #tpu.memory_space<vmem_shared>> -> memref<1024xf32, #tpu.memory_space<vmem_shared>>
    tpu.wait_indirect_dma semaphore(%arg14 : memref<!tpu.dma_semaphore, #tpu.memory_space<semaphore_mem>>) src(%dma_wait3A_10 : memref<1024xf32, #tpu.memory_space<vmem_shared>>) dst(%arg10 : memref<10000xf32, #tpu.memory_space<vmem>>)
    %scan3A = arith.constant 0 : i32
    %scan3A_11 = arith.constant 0 : i32
    %scan3A_12 = arith.constant 625 : i32
    %scan3A_13 = arith.addi %scan3A_11, %scan3A_12 : i32
    %scan3A_14 = arith.constant 1 : i32
    scf.for %scan3A_16 = %scan3A_11 to %scan3A_13 step %scan3A_14  : i32 {
      %mul3A_17 = arith.constant 16 : i32
      %mul3A_18 = arith.muli %scan3A_16, %mul3A_17 : i32
      %multiple_of3A = tpu.assume_multiple %mul3A_18, 16 : i32
      %get3A = arith.index_cast %multiple_of3A : i32 to index
      %get3A_19 = tpu.vector_load %arg9[%get3A] {strides = array<i32>} : memref<10000xf32, #tpu.memory_space<vmem>>, vector<16xf32>,
      %get3A_20 = vector.shape_cast %get3A_19 : vector<16xf32> to vector<16xf32>
      %get3A_21 = arith.index_cast %multiple_of3A : i32 to index
      %get3A_22 = tpu.vector_load %arg8[%get3A_21] {strides = array<i32>} : memref<10000xf32, #tpu.memory_space<vmem>>, vector<16xf32>,
      %get3A_23 = vector.shape_cast %get3A_22 : vector<16xf32> to vector<16xf32>
      %mul3A_24 = arith.mulf %get3A_20, %get3A_23 : vector<16xf32>
      %get3A_25 = arith.index_cast %multiple_of3A : i32 to index
      %get3A_26 = tpu.vector_load %arg10[%get3A_25] {strides = array<i32>} : memref<10000xf32, #tpu.memory_space<vmem>>, vector<16xf32>,
      %get3A_27 = vector.shape_cast %get3A_26 : vector<16xf32> to vector<16xf32>
      %add3A_28 = arith.addf %mul3A_24, %get3A_27 : vector<16xf32>
      %swap3A = arith.index_cast %multiple_of3A : i32 to index
      %swap3A_29 = tpu.vector_load %arg11[%swap3A] {strides = array<i32>} : memref<10000xf32, #tpu.memory_space<vmem>>, vector<16xf32>,
      %swap3A_30 = vector.shape_cast %swap3A_29 : vector<16xf32> to vector<16xf32>
      %swap3A_31 = vector.shape_cast %add3A_28 : vector<16xf32> to vector<16xf32>
      tpu.vector_store %arg11[%swap3A], %swap3A_31 {strides = array<i32>} : memref<10000xf32, #tpu.memory_space<vmem>>, vector<16xf32>,
    }
    %scan3A_15 = arith.constant 625 : i32
    "tpu.region"() ({
      %run_scoped3A = tpu.sem_alloc : memref<!tpu.dma_semaphore, #tpu.memory_space<semaphore_mem>>
      %dma_start3A_16 = tpu.memref_slice %arg6[%mul3A_2] : memref<320000xf32, #tpu.memory_space<hbm>> -> memref<10000xf32, #tpu.memory_space<hbm>>
      %dma_start3A_17 = tpu.memref_slice %arg6[%mul3A_2] : memref<320000xf32, #tpu.memory_space<hbm>> -> memref<10000xf32, #tpu.memory_space<hbm>>
      tpu.enqueue_dma source(%arg11 : memref<10000xf32, #tpu.memory_space<vmem>>) target(%dma_start3A_17 : memref<10000xf32, #tpu.memory_space<hbm>>) target_semaphore(%run_scoped3A : memref<!tpu.dma_semaphore, #tpu.memory_space<semaphore_mem>>)
      %dma_wait3A_18 = tpu.memref_slice %arg6[%mul3A_2] : memref<320000xf32, #tpu.memory_space<hbm>> -> memref<10000xf32, #tpu.memory_space<hbm>>
      %dma_wait3A_19 = tpu.memref_slice %arg6[%mul3A_2] : memref<320000xf32, #tpu.memory_space<hbm>> -> memref<10000xf32, #tpu.memory_space<hbm>>
      tpu.wait_dma2 semaphore(%run_scoped3A : memref<!tpu.dma_semaphore, #tpu.memory_space<semaphore_mem>>) src(%arg11 : memref<10000xf32, #tpu.memory_space<vmem>>) dst(%dma_wait3A_19 : memref<10000xf32, #tpu.memory_space<hbm>>)
      tpu.yield
    }) : () -> ()
    return
  }
}

module attributes {stable_mosaic.version = 14 : i64} {
  func.func @_rbf_body(%arg0: i32, %arg1: memref<1x1x12800xf32, #tpu.memory_space<vmem>>, %arg2: memref<1x128xf32, #tpu.memory_space<vmem>>, %arg3: memref<1x128xf32, #tpu.memory_space<vmem>>, %arg4: memref<12800x128xf32, #tpu.memory_space<vmem>>) attributes {dimension_semantics = [#tpu.dimension_semantics<arbitrary>], iteration_bounds = array<i64: 25>, scalar_prefetch = 0 : i64, scratch_operands = 0 : i64, tpu.core_type = #tpu.core_type<tc>, window_params = [{transform_indices = @transform_0, window_bounds = array<i64: 1, 1, 12800>}, {pipeline_mode = #tpu.pipeline_mode<synchronous>, transform_indices = @transform_1, window_bounds = array<i64: 1, 128>}, {pipeline_mode = #tpu.pipeline_mode<synchronous>, transform_indices = @transform_2, window_bounds = array<i64: 1, 128>}, {transform_indices = @transform_3, window_bounds = array<i64: 12800, 128>}]} {
    %get3A = arith.constant 0 : index
    %get3A_0 = arith.constant 0 : index
    %get3A_1 = vector.load %arg2[%get3A, %get3A_0] : memref<1x128xf32, #tpu.memory_space<vmem>>, vector<1x128xf32>
    %get3A_2 = arith.constant 0 : index
    %get3A_3 = arith.constant 0 : index
    %get3A_4 = vector.load %arg3[%get3A_2, %get3A_3] : memref<1x128xf32, #tpu.memory_space<vmem>>, vector<1x128xf32>
    %abs3A = math.absf %get3A_4 : vector<1x128xf32>
    %mul3A = arith.constant -1.44269502 : f32
    %mul3A_5 = vector.broadcast %mul3A : f32 to vector<1x128xf32>
    %mul3A_6 = arith.mulf %abs3A, %mul3A_5 : vector<1x128xf32>
    %get3A_7 = arith.constant 0 : index
    %get3A_8 = arith.constant 0 : index
    %get3A_9 = arith.constant 0 : index
    %get3A_10 = vector.load %arg1[%get3A_7, %get3A_8, %get3A_9] : memref<1x1x12800xf32, #tpu.memory_space<vmem>>, vector<1x1x12800xf32>
    %get3A_11 = vector.shape_cast %get3A_10 : vector<1x1x12800xf32> to vector<1x12800xf32>
    %transpose3A = tpu.transpose %get3A_11, [1, 0] : vector<1x12800xf32> -> vector<12800x1xf32>
    %sub3A = vector.broadcast %transpose3A : vector<12800x1xf32> to vector<12800x128xf32>
    %sub3A_12 = vector.broadcast %get3A_1 : vector<1x128xf32> to vector<12800x128xf32>
    %sub3A_13 = arith.subf %sub3A, %sub3A_12 : vector<12800x128xf32>
    %mul3A_14 = arith.mulf %sub3A_13, %sub3A_13 : vector<12800x128xf32>
    %mul3A_15 = vector.broadcast %mul3A_6 : vector<1x128xf32> to vector<12800x128xf32>
    %mul3A_16 = arith.mulf %mul3A_14, %mul3A_15 : vector<12800x128xf32>
    %exp23A = math.exp2 %mul3A_16 : vector<12800x128xf32>
    %swap3A = arith.constant 0 : index
    %swap3A_17 = arith.constant 0 : index
    %swap3A_18 = vector.load %arg4[%swap3A, %swap3A_17] : memref<12800x128xf32, #tpu.memory_space<vmem>>, vector<12800x128xf32>
    tpu.vector_store %arg4[%swap3A, %swap3A_17], %exp23A {strides = array<i32>} : memref<12800x128xf32, #tpu.memory_space<vmem>>, vector<12800x128xf32>,
    return
  }
  func.func @transform_0(%arg0: i32) -> (i32, i32, i32) {
    %c0_i32 = arith.constant 0 : i32
    %c0_i32_0 = arith.constant 0 : i32
    %c0_i32_1 = arith.constant 0 : i32
    return %arg0, %c0_i32, %c0_i32_0 : i32, i32, i32
  }
  func.func @transform_1(%arg0: i32) -> (i32, i32) {
    %c0_i32 = arith.constant 0 : i32
    %c0_i32_0 = arith.constant 0 : i32
    %c0_i32_1 = arith.constant 0 : i32
    return %c0_i32, %c0_i32_0 : i32, i32
  }
  func.func @transform_2(%arg0: i32) -> (i32, i32) {
    %c0_i32 = arith.constant 0 : i32
    %c0_i32_0 = arith.constant 0 : i32
    %c0_i32_1 = arith.constant 0 : i32
    return %c0_i32, %c0_i32_0 : i32, i32
  }
  func.func @transform_3(%arg0: i32) -> (i32, i32) {
    %c0_i32 = arith.constant 0 : i32
    %c0_i32_0 = arith.constant 0 : i32
    return %arg0, %c0_i32 : i32, i32
  }
}

</mosaic_0001>

<sc_bundles>
// kernel: kernel.4.cloned.1.call-start
scs
__scs_entry_jumppad:
0x0: {  	(pc) =	sbr.rel $0x88, $3  }
0x1: {  	(tag) =	ssettag $0x0;
	lr =	simm.s32 $0x1  }
0x2: {  	[smem:$0x3F9B] =	sst lr;
	_ =	strace $0xD0000000  }
0x3: {  	_ = 	snop  }
0x4: {  	_ = 	snop  }
0x5: {  	_ = 	snop  }
0x6: {  	_ = 	snop  }
0x7: {  	_ = 	snop  }
__scs_overlays_trampoline_lowered:
0x8: {  	[smem:$0x3FAA] =	sst s0  }
0x9: {  	[smem:$0x3FAB] =	sst s1  }
0xa: {  	[smem:$0x3FAC] =	sst s2  }
0xb: {  	[smem:$0x3FAD] =	sst s3  }
0xc: {  	[smem:$0x3FAE] =	sst s4  }
0xd: {  	[smem:$0x3FAF] =	sst s5  }
0xe: {  	[smem:$0x3FB0] =	sst s6  }
0xf: {  	[smem:$0x3FB1] =	sst s7  }
0x10: {  	[smem:$0x3FB2] =	sst s8  }
0x11: {  	[smem:$0x3FB3] =	sst s9;
	s0 =	simm.s32 @!p0 $0x0  }
0x12: {  	s1 =	sld [smem:$0x3F99];
	s0 =	simm.s32 @p0 $0x1  }
0x13: {  	[smem:$0x3FB4] =	sst s0;
	s0 =	simm.s32 @!p1 $0x0  }
0x14: {  	s2 =	sld [smem:$0x3F98];
	s0 =	simm.s32 @p1 $0x1  }
0x15: {  	[smem:$0x3FB5] =	sst s0;
	s0 =	simm.s32 @!p2 $0x0  }
0x16: {  	s3 =	sld [smem:$0x3FDB];
	s0 =	simm.s32 @p2 $0x1  }
0x17: {  	s4 =	simm.s32 $0x1BF5;
	[smem:$0x3FB7] =	sst s0  }
0x18: {  	s0 =	sld [smem:$0x3F9A];
	_ =	swait.ge [sflag:s4], $0x0  }
0x19: {  	s7 =	sld [smem:$0x3F9B]  }
0x1a: {  	s8 =	sadd.s32 $0xFFFFE003, lr  }
0x1b: {  	s9 =	sadd.s32 $0xFFFFFEF7, lr;
	s5 =	simm.s32 $0xFFFFFFFF;
	p2 =	slt.u32 s8, $0xFFFFF086  }
0x1c: {  	p1 =	slt.u32 s9, $0xF7A;
	s5 =	simm.s32 @!p2 $0x0  }
0x1d: {  	s5 =	simm.s32 @p1 $0x1;
	p0 =	seq.s32 s7, s2  }
0x1e: {  	s7 =	smul.u32 @!p0 $0xF7A, s2;
	p2 =	seq.s32 @!p0 s5, $0x0  }
0x1f: {  	s9 =	smul.u32 $0xF7A, s1;
	s8 =	simm.s32 @!p0 $0x1BF5;
	p2 =	por !p2, p0  }
0x20: {  	[sflag:s8] =	ssyncset.s32 @!p0 $0xFFFFF086;
	s6 =	sadd.s32 @!p0 s3, s7;
	s7 =	simm.s32 @!p0 $0x108  }
0x21: {  	s3 =	sadd.s32 s3, s9;
	s6 =	sadd.s32 @!p0 $0x88, s6;
	s7 =	simm.s32 @p2 $0x1082  }
0x22: {  	[simem:s7], [sflag:s8] =	dma.local @!p0 [hbm:s6], $0xF7A  }
0x23: {  	s9 =	sor.u32 $0xD0000000, s2;
	s6 =	simm.s32 $0x108;
	_ =	swait.ge @!p0 [sflag:s8], $0x0  }
0x24: {  	s3 =	sadd.s32 $0x88, s3;
	s6 =	simm.s32 @!p1 $0x1082;
	[sflag:s4] =	ssyncset.s32 $0xFFFFF086  }
0x25: {  	[simem:s6], [sflag:s4] =	dma.local [hbm:s3], $0xF7A  }
0x26: {  	[smem:$0x3F9B] =	sst s1;
	(tag) =	ssettag s2;
	_ =	strace s9  }
0x27: {  	s1 =	sld [smem:$0x3FAB]  }
0x28: {  	s2 =	sld [smem:$0x3FAC]  }
0x29: {  	s4 =	sld [smem:$0x3FAE]  }
0x2a: {  	p0 =	seq.s32 s5, $0x0;
	s5 =	sld [smem:$0x3FAF]  }
0x2b: {  	s6 =	sld [smem:$0x3FB0]  }
0x2c: {  	s7 =	sld [smem:$0x3FB1]  }
0x2d: {  	s3 =	simm.s32 $0x108;
	s8 =	sld [smem:$0x3FB2]  }
0x2e: {  	s3 =	simm.s32 @!p0 $0x1082;
	s9 =	sld [smem:$0x3FB3]  }
0x2f: {  	lr =	sadd.s32 s0, s3;
	s0 =	sld [smem:$0x3FAA]  }
0x30: {  	s3 =	sld [smem:$0x3FAD]  }
0x31: {  	[smem:$0x3FB6] =	sst s10  }
0x32: {  	s10 =	sld [smem:$0x3FB4];
	_ =	sdelay $0x3  }
0x33: {  	p0 =	seq.s32 s10, $0x1;
	s10 =	sld [smem:$0x3FB6];
	_ =	sdelay $0x3  }
0x34: {  	[smem:$0x3FB6] =	sst s10  }
0x35: {  	s10 =	sld [smem:$0x3FB5];
	_ =	sdelay $0x3  }
0x36: {  	p1 =	seq.s32 s10, $0x1;
	s10 =	sld [smem:$0x3FB6];
	_ =	sdelay $0x3  }
0x37: {  	[smem:$0x3FB6] =	sst s10  }
0x38: {  	s10 =	sld [smem:$0x3FB7]  }
0x39: {  	_ = 	snop;
	(pc) =	sbr.ind lr, $3  }
0x3a: {  	_ = 	snop  }
0x3b: {  	_ = 	snop  }
0x3c: {  	p2 =	seq.s32 s10, $0x1;
	s10 =	sld [smem:$0x3FB6]  }
0x3d: {  	_ =	shalt  }
0x3e: {  	_ =	shalt  }
0x3f: {  	_ =	shalt  }
0x40: {  	_ =	shalt  }
0x41: {  	_ =	shalt  }
0x42: {  	_ =	shalt  }
0x43: {  	_ =	shalt  }
0x44: {  	_ =	shalt  }
0x45: {  	_ =	shalt  }
0x46: {  	_ =	shalt  }
0x47: {  	_ =	shalt  }
0x48: {  	_ =	shalt  }
0x49: {  	_ =	shalt  }
0x4a: {  	_ =	shalt  }
0x4b: {  	_ =	shalt  }
0x4c: {  	_ =	shalt  }
0x4d: {  	_ =	shalt  }
0x4e: {  	_ =	shalt  }
0x4f: {  	_ =	shalt  }
0x50: {  	_ =	shalt  }
0x51: {  	_ =	shalt  }
0x52: {  	_ =	shalt  }
0x53: {  	_ =	shalt  }
0x54: {  	_ =	shalt  }
0x55: {  	_ =	shalt  }
0x56: {  	_ =	shalt  }
0x57: {  	_ =	shalt  }
0x58: {  	_ =	shalt  }
0x59: {  	_ =	shalt  }
0x5a: {  	_ =	shalt  }
0x5b: {  	_ =	shalt  }
0x5c: {  	_ =	shalt  }
0x5d: {  	_ =	shalt  }
0x5e: {  	_ =	shalt  }
0x5f: {  	_ =	shalt  }
0x60: {  	_ =	shalt  }
0x61: {  	_ =	shalt  }
0x62: {  	_ =	shalt  }
0x63: {  	_ =	shalt  }
0x64: {  	_ =	shalt  }
0x65: {  	_ =	shalt  }
0x66: {  	_ =	shalt  }
0x67: {  	_ =	shalt  }
0x68: {  	_ =	shalt  }
0x69: {  	_ =	shalt  }
0x6a: {  	_ =	shalt  }
0x6b: {  	_ =	shalt  }
0x6c: {  	_ =	shalt  }
0x6d: {  	_ =	shalt  }
0x6e: {  	_ =	shalt  }
0x6f: {  	_ =	shalt  }
0x70: {  	_ =	shalt  }
0x71: {  	_ =	shalt  }
0x72: {  	_ =	shalt  }
0x73: {  	_ =	shalt  }
0x74: {  	_ =	shalt  }
0x75: {  	_ =	shalt  }
0x76: {  	_ =	shalt  }
0x77: {  	_ =	shalt  }
0x78: {  	_ =	shalt  }
0x79: {  	_ =	shalt  }
0x7a: {  	_ =	shalt  }
0x7b: {  	_ =	shalt  }
0x7c: {  	_ =	shalt  }
0x7d: {  	_ =	shalt  }
0x7e: {  	_ =	shalt  }
0x7f: {  	_ =	shalt  }
0x80: {  	_ =	shalt  }
0x81: {  	_ =	shalt  }
0x82: {  	_ =	shalt  }
0x83: {  	_ =	shalt  }
0x84: {  	_ =	shalt  }
0x85: {  	_ =	shalt  }
0x86: {  	_ =	shalt  }
0x87: {  	_ =	shalt  }
.Lfunc_end0:
.L_simem_size_0:
called_computation_lowered:
.L_overlay_start_0:
0x88: {  	s2 =	sld [smem:$0x3FD9]  }
0x89: {  	s3 =	sld [smem:$0x3FFE];
	_ =	sdelay $0x1  }
0x8a: {  	s1 =	srdreg.scid  }
0x8b: {  	s0 =	sand.u32 $0x1, s1  }
0x8c: {  	s18 =	sshll.u32 s0, $0xA;
	s2 =	sadd.s32 s3, s2  }
0x8d: {  	s2 =	sadd.s32 s2, s18  }
0x8e: {  	[smem:$0x3FC2] =	sst s2  }
0x8f: {  	_ = 	snop  }
0x90: {  	s2 =	sld [smem:$0x3FC9]  }
0x91: {  	s19 =	sld [smem:$0x3FC8]  }
0x92: {  	s4 =	sld [smem:$0x3FC5]  }
0x93: {  	s5 =	sld [smem:$0x3FC4]  }
0x94: {  	s6 =	sld [smem:$0x3FD0];
	(tm) =	ssettm $0x1  }
0x95: {  	s7 =	sld [smem:$0x3FFB];
	_ =	sdelay $0x3  }
0x96: {  	_ =	strace s7  }
0x97: {  	s7 =	sld [smem:$0x3FFC];
	_ =	sdelay $0x3  }
0x98: {  	_ =	strace s7  }
0x99: {  	s7 =	sld [smem:$0x3FFD];
	_ =	sdelay $0x3  }
0x9a: {  	_ =	strace s7  }
0x9b: {  	_ =	strace $0x8FFFFFFF  }
0x9c: {  	s20 =	sld [smem:$0x3FDB];
	_ =	sdelay $0x1  }
0x9d: {  	s8 =	simm.s32 $_scs_section_size  }
0x9e: {  	s9 =	simm.s32 $_size__tile_overlayer_lowered;
	s10 =	simm.s32 $_tile_overlayer_lowered  }
0x9f: {  	s23 =	simm.s32 $0x1BFF;
	s22 =	sshll.u32 s10, $0x1;
	s7 =	sadd.s32 s8, s20  }
0xa0: {  	s11 =	simm.s32 $0x0;
	s21 =	sshll.u32 s9, $0x1;
	s9 =	sadd.s32 s22, s7  }
0xa1: {  	[timem:s11], [sflag:s23] =	dma.local [hbm:s9], s21  }
0xa2: {  	_ =	swait.ge [sflag:s23], s21  }
0xa3: {  	s8 =	ssub.s32 $0x0, s21;
	[sflag:s23] =	ssyncset.done $0x0  }
0xa4: {  	[sflag:s23] =	ssyncadd.s32 s8;
	_ =	sdelay $0x1  }
0xa5: {  	s24 =	simm.s32 $0x1B8B  }
0xa6: {  	_ =	swait.ge [sflag:s24], $0x1  }
0xa7: {  	[sflag:s24] =	ssyncset.done $0x0  }
0xa8: {  	s25 =	simm.s32 $0x1B8E;
	[sflag:s24] =	ssyncadd.s32 $0xFFFFFFFF  }
0xa9: {  	s26 =	simm.s32 $execute0_lowered;
	[smem:$0x3FD2] =	sst s25  }
0xaa: {  	s8 =	sshll.u32 s26, $0x1;
	_ =	strace $0x80000046;
	[dreg:$0x1] =	wrdreg $0xFFFFFFFF  }
0xab: {  	s28 =	simm.s32 $_size_execute0_lowered;
	s7 =	sadd.s32 s7, s8;
	[dreg:$0x0] =	wrdreg $0x0  }
0xac: {  	s8 =	sshll.u32 s28, $0x1;
	[dreg:$0x2] =	wrdreg s7  }
0xad: {  	[dreg:$0x3] =	wrdreg s8  }
0xae: {  	[dreg:$0x4] =	wrdreg $0xC0  }
0xaf: {  	_ =	task [dreg:s11], $0x5FFFF  }
0xb0: {  	[dreg:$0x1] =	wrdreg $0xFFFFFFFF  }
0xb1: {  	[dreg:$0x0] =	wrdreg $0x60  }
0xb2: {  	[dreg:$0x2] =	wrdreg s2  }
0xb3: {  	[dreg:$0x3] =	wrdreg s19  }
0xb4: {  	[dreg:$0x4] =	wrdreg s4  }
0xb5: {  	[dreg:$0x5] =	wrdreg s5  }
0xb6: {  	[dreg:$0x6] =	wrdreg s6  }
0xb7: {  	[dreg:$0x7] =	wrdreg $0xC5800  }
0xb8: {  	[dreg:$0x8] =	wrdreg $0xC5C00  }
0xb9: {  	[dreg:$0x9] =	wrdreg $0x9  }
0xba: {  	_ =	task.clear_ibuf [dreg:s11], $0xAFFFF;
	_ =	strace $0x90000046  }
0xbb: {  	s29 =	simm.s32 $0x9;
	_ =	strace $0x80000048  }
0xbc: {  	_ =	swait.ge [sflag:s29], $0x1  }
0xbd: {  	[sflag:s29] =	ssyncadd.s32 $0xFFFFFFFF  }
0xbe: {  	_ =	strace $0x90000048  }
0xbf: {  	_ =	sfence  }
0xc0: {  	s30 =	sld [smem:$0x0];
	_ =	sdelay $0x2  }
0xc1: {  	s31 =	sshll.u32 s1, $0xD;
	s1 =	sshrl.u32 s1, $0x2  }
0xc2: {  	s3 =	sand.u32 $0x4000, s31;
	s1 =	sadd.s32 s1, s30  }
0xc3: {  	s0 =	sor.u32 s3, s0;
	s1 =	sshll.u32 s1, $0x11  }
0xc4: {  	s0 =	sor.u32 s1, s0  }
0xc5: {  	s0 =	sadd.s32 $0x8F2B, s0  }
0xc6: {  	[sflag:s0] =	ssyncadd.remote.s32 $0x1  }
0xc7: {  	_ =	sfence.sel $0xFFFF  }
0xc8: {  	[dreg:$0x0] =	wrdreg $0xFFFFFFFF;
	(pc) =	sbr.abs _section_cstart, $3  }
0xc9: {  	[dreg:$0x1] =	wrdreg $0xFFFFFFFF  }
0xca: {  	_ =	task.clear_ibuf [dreg:s11], $0x2FFFF;
	_ =	strace $0x9FFFFFFF  }
0xcb: {  	(tm) =	ssettm $0x7FFFFFFF  }
tec
execute0_lowered:
.L_overlay_start_1:
0x0: {  	(tag) =	ssettag $0x1  }
0x1: {  	s7 =	rddreg [dreg:$0x0]  }
0x2: {  	s6 =	rddreg [dreg:$0x1]  }
0x3: {  	s0 =	rddreg [dreg:$0x2]  }
0x4: {  	s1 =	rddreg [dreg:$0x3]  }
0x5: {  	s8 =	rddreg [dreg:$0x4]  }
0x6: {  	s3 =	rddreg [dreg:$0x5]  }
0x7: {  	s4 =	rddreg [dreg:$0x6];
	s5 =	srdreg.scid  }
0x8: {  	s10 =	stileid.u32;
	s2 =	rddreg [dreg:$0x7];
	s14 =	simm.s32 $0x2710  }
0x9: {  	s15 =	simm.s32 $0x4F00;
	s16 =	simm.s32 $0x1;
	s17 =	simm.s32 $0x7680  }
0xa: {  	s18 =	simm.s32 $0x9E00;
	s19 =	simm.s32 $0x0;
	s9 =	sand.u32 $0x1, s5  }
0xb: {  	s11 =	sshll.u32 s10, $0x1;
	s5 =	simm.s32 $0x0;
	p0 =	sne.s32 s10, $0x0  }
0xc: {  	s10 =	simm.s32 $0x2;
	s12 =	ssub.s32 $0x2, s9;
	s9 =	sor.u32 s9, s11  }
0xd: {  	[smem:$0x7FF] =	sst s5;
	s31 =	sshrl.u32 s12, $0x1;
	s9 =	smul.u32 $0x4E2, s9  }
0xe: {  	s13 =	sshrl.u32 @!p0 s4, $0x3;
	_ =	strace $0x80000047;
	s11 =	ssub.s32 s12, s31  }
0xf: {  	s12 =	sshrl.u32 @!p0 s3, $0x3;
	s6 =	sadd.s32 s6, s9;
	s7 =	sadd.s32 s7, s9  }
0x10: {  	s8 =	sadd.s32 s8, s9;
	s9 =	smax.u32 s11, $0x1;
	s11 =	simm.s32 $0x2780  }
.LBB2_1:
0x11: {  	[tilespmem:s5], [sflag:$0x2] =	stream.linear.gather [hbm4b:s6+s5], $0x2710, $0x38;
	[tilespmem:$0xC600] =	vst v63  }
0x12: {  	_ =	swait.ge [sflag:s10], $0x2710  }
0x13: {  	[sflag:s10] =	ssyncset.done $0x0  }
0x14: {  	[sflag:s10] =	ssyncadd.s32 $0xFFFFD8F0  }
0x15: {  	[tilespmem:s11], [sflag:$0x2] =	stream.linear.gather [hbm4b:s7+s5], $0x2710, $0x38;
	[tilespmem:$0xC600] =	vst v63  }
0x16: {  	_ =	swait.ge [sflag:s10], $0x2710  }
0x17: {  	[sflag:s10] =	ssyncset.done $0x0  }
0x18: {  	s20 =	simm.s32 @!p0 $0x1C02;
	s21 =	simm.s32 @!p0 $0x2;
	[sflag:s10] =	ssyncadd.s32 $0xFFFFD8F0  }
0x19: {  	[spmem:s12], [sflag:s20] =	dma.local @!p0 [hbm:s0], $0x80  }
0x1a: {  	_ =	swait.ge @!p0 [sflag:s21], $0x80  }
0x1b: {  	[sflag:s21] =	ssyncset.done @!p0 $0x0  }
0x1c: {  	[sflag:s21] =	ssyncadd.s32 @!p0 $0xFFFFFF80  }
0x1d: {  	[spmem:s13], [sflag:s20] =	dma.local @!p0 [hbm:s1], $0x80  }
0x1e: {  	_ =	swait.ge @!p0 [sflag:s21], $0x80  }
0x1f: {  	[sflag:s21] =	ssyncset.done @!p0 $0x0  }
0x20: {  	[sflag:s21] =	ssyncadd.s32 @!p0 $0xFFFFFF80  }
0x21: {  	[bflag:$0x0] =	sbarrier.arrive $0xFFFF  }
0x22: {  	[tilespmem:s15], [sflag:$0x1] =	stream.indirect.gather [spmem:s3], $0x1, s5, s14, $0xb8;
	[tilespmem:$0xC600] =	vst v63  }
0x23: {  	_ =	swait.ge [sflag:s16], $0x2710  }
0x24: {  	[sflag:s16] =	ssyncset.done $0x0  }
0x25: {  	[sflag:s16] =	ssyncadd.s32 $0xFFFFD8F0  }
0x26: {  	[tilespmem:s17], [sflag:$0x1] =	stream.indirect.gather [spmem:s4], $0x1, s5, s14, $0xb8;
	[tilespmem:$0xC600] =	vst v63  }
0x27: {  	_ =	swait.ge [sflag:s16], $0x2710  }
0x28: {  	[sflag:s16] =	ssyncset.done $0x0  }
0x29: {  	s20 =	simm.s32 $0x0;
	[sflag:s16] =	ssyncadd.s32 $0xFFFFD8F0  }
0x2a: {  	v0 =	vld [tilespmem:s20+$0x4F00]  }
0x2b: {  	v1 =	vld [tilespmem:s20+$0x2780];
	_ =	sdelay $0x1  }
0x2c: {  	v2 =	vld [tilespmem:s20+$0x7680]  }
0x2d: {  	s21 =	simm.s32 $0x40  }
.LBB2_2:
0x2e: {  	s22 =	sshra.s32 s21, $0x2;
	p1 =	sne.s32 s21, $0x9C00  }
.Ltmp0:
0x2f: {  	s21 =	sadd.s32 $0x40, s21;
	v3 =	vmul.f32 v1, v0;
	v0 =	vld [tilespmem:s22+$0x4F00];
	(pc) =	sbr.rel @p1 .LBB2_2-.Ltmp0, $4  }
0x30: {  	v1 =	vld [tilespmem:s22+$0x2780]  }
0x31: {  	v3 =	vadd.f32 v2, v3  }
0x32: {  	v2 =	vld [tilespmem:s22+$0x7680]  }
0x33: {  	[tilespmem:s20+$0x9E00] =	vst v3;
	s20 =	smov.u32 s22  }
0x34: {  	_ = 	snop  }
0x35: {  	v0 =	vmul.f32 v1, v0;
	_ =	sdelay $0x1  }
0x36: {  	s19 =	sadd.s32 $0x1, s19;
	v0 =	vadd.f32 v2, v0  }
0x37: {  	p1 =	sne.s32 s19, s9  }
.Ltmp1:
0x38: {  	[tilespmem:s20+$0x9E00] =	vst v0;
	(pc) =	sbr.rel @p1 .LBB2_1-.Ltmp1, $4  }
0x39: {  	[hbm4b:s8+s5] =	stream.linear.scatter [tilespmem:s18], [sflag:$0x2], $0x2710, $0x38;
	[tilespmem:$0xC600] =	vst v63  }
0x3a: {  	_ =	swait.ge [sflag:s10], $0x2710  }
0x3b: {  	[sflag:s10] =	ssyncset.done $0x0  }
0x3c: {  	[sflag:s10] =	ssyncadd.s32 $0xFFFFD8F0  }
0x3d: {  	_ =	sfence.sel $0x180000  }
0x3e: {  	[bflag:$0x0] =	sbarrier.arrive $0xFFFF  }
0x3f: {  	_ =	strace $0x90000047  }
0x40: {  	s0 =	sadd.s32 @!p0 $0x100000, s2;
	[bflag:$0x2] =	sbarrier.arrive $0xFFFF  }
0x41: {  	[sflag:s0] =	ssyncadd.tile.s32 @!p0 $0x1;
	_ =	shalt  }
.Lfunc_end2:
_tile_overlayer_lowered:
.L_overlay_start_2:
0x42: {  	(tag) =	ssettag $0x2  }
0x43: {  	s0 =	rddreg [dreg:$0x0];
	s2 =	stileid.u32  }
0x44: {  	s1 =	rddreg [dreg:$0x1];
	p0 =	sne.s32 s2, $0x0  }
0x45: {  	s3 =	rddreg [dreg:$0x2];
	[bflag:$0x3] =	sbarrier.arrive $0xFFFF;
	s2 =	simm.s32 @!p0 $0x1C02  }
0x46: {  	[timem:s3], [sflag:s2] =	dma.local @!p0 [hbm:s0], s1  }
0x47: {  	s0 =	simm.s32 @!p0 $0x2  }
0x48: {  	_ =	swait.ge @!p0 [sflag:s0], s1  }
0x49: {  	s1 =	ssub.s32 @!p0 $0x0, s1;
	[sflag:s0] =	ssyncset.done @!p0 $0x0  }
0x4a: {  	[sflag:s0] =	ssyncadd.s32 @!p0 s1  }
0x4b: {  	[bflag:$0x3] =	sbarrier.arrive $0xFFFF  }
0x4c: {  	_ =	shalt  }

</sc_bundles>
